<compile_context>
chip_gen: v7x
topology: tpu7x:2x2x1
jax: 0.10.2.dev20260603
libtpu: 0.0.44.dev20260713+nightly
codegen_flags: <defaults>
</compile_context>

<pallas_src>
import functools

import jax
import jax.numpy as jnp
from jax import lax
from jax.experimental import pallas as pl
from jax.experimental.pallas import tpu as pltpu
from jax.experimental.pallas import tpu_sc as plsc

BATCH = 4096
HIST = 50
DIM = 64
LANES = 16
NC = 2
NS = 16
NW = NC * NS
PER_W = BATCH // NW
DREG = DIM // LANES
GROUPS = PER_W // LANES
INV_HIST = 1.0 / HIST


def _emb_body(tokens_hbm, table_hbm, out_hbm, idx_raw, idx_t, acc_v,
              sem, idx_sem):
    wid = lax.axis_index("s") * NC + lax.axis_index("c")
    base = wid * PER_W
    idx_cp = pltpu.async_copy(tokens_hbm.at[pl.ds(base, PER_W)], idx_raw,
                              idx_sem)

    zeros = jnp.zeros((LANES,), jnp.float32)

    def zero_elem(e, carry):
        for d in range(DREG):
            acc_v[e, pl.ds(d * LANES, LANES)] = zeros
        return carry

    lax.fori_loop(0, PER_W, zero_elem, 0)
    idx_cp.wait()

    lane = lax.iota(jnp.int32, LANES)

    def transpose_t(t, carry):
        col = jnp.full((LANES,), 0, jnp.int32) + t
        for g in range(GROUPS):
            rows = lane + (g * LANES)
            idx_t[t, pl.ds(g * LANES, LANES)] = plsc.load_gather(
                idx_raw, [rows, col])
        return carry

    lax.fori_loop(0, HIST, transpose_t, 0)

    def fire(t, carry):
        pltpu.async_copy(table_hbm.at[idx_t.at[t]], acc_v, sem, add=True)
        return carry

    lax.fori_loop(0, HIST, fire, 0)

    def drain(t, carry):
        pltpu.make_async_copy(table_hbm.at[idx_t.at[t]], acc_v, sem).wait()
        return carry

    lax.fori_loop(0, HIST, drain, 0)

    def scale(e, carry):
        for d in range(DREG):
            sl = pl.ds(d * LANES, LANES)
            acc_v[e, sl] = acc_v[e, sl] * INV_HIST
        return carry

    lax.fori_loop(0, PER_W, scale, 0)
    pltpu.sync_copy(acc_v, out_hbm.at[pl.ds(base, PER_W)])


@functools.partial(
    pl.kernel,
    out_type=jax.ShapeDtypeStruct((BATCH, DIM), jnp.float32),
    mesh=plsc.VectorSubcoreMesh(core_axis_name="c", subcore_axis_name="s"),
    scratch_types=[
        pltpu.VMEM((PER_W, HIST), jnp.int32),
        pltpu.VMEM((HIST, PER_W), jnp.int32),
        pltpu.VMEM((PER_W, DIM), jnp.float32),
        pltpu.SemaphoreType.DMA,
        pltpu.SemaphoreType.DMA,
    ],
    compiler_params=pltpu.CompilerParams(use_tc_tiling_on_sc=False,
                                         needs_layout_passes=False),
)
def _emb(tokens_hbm, table_hbm, out_hbm, idx_raw, idx_t, acc_v, sem, idx_sem):
    _emb_body(tokens_hbm, table_hbm, out_hbm, idx_raw, idx_t, acc_v,
              sem, idx_sem)


def kernel(tokens_list, table):
    return _emb(tokens_list, table)

# --- scband reference (transcript-rebuilt; emitter-appended) ---
"""Pipeline reference for scband-semantic-encoder-73409581023295 (READ-ONLY COPY).

The authoritative reference and input builder live on the scoring server;
editing this copy changes nothing except your own understanding.
"""

import jax, jax.numpy as jnp
import numpy as np

BATCH = 4096
HIST = 50
VOCAB = 100000
DIM = 64

def setup_inputs(seed: int = 0) -> dict:
    key = jax.random.key(seed)
    k1, k2 = jax.random.split(key)
    tokens_list = jax.random.randint(k1, (BATCH, HIST), 0, VOCAB, dtype=jnp.int32)
    # Word2Vec embedding table materialized as a learned parameter (stands in for word2vec.wv)
    table = jax.random.normal(k2, (VOCAB, DIM), dtype=jnp.float32) * 0.1
    return {"tokens_list": tokens_list, "table": table}

def reference(tokens_list, table):
    # Faithful translation of the forward pass: for each token sequence, gather the
    # per-token embedding vectors from the word2vec table and mean-pool over tokens.
    # (Every token index is in-vocab by construction, matching the `if token in wv` guard;
    #  the in-forward Word2Vec.train() step is an untensorizable gensim side effect and is
    #  modeled by the fixed embedding table.)
    emb = jnp.take(table, tokens_list, axis=0)   # [B, L, D] gather
    return jnp.mean(emb, axis=1)                 # [B, D]

if __name__ == "__main__":
    import jax
    _d = setup_inputs()
    print(jax.jit(kernel)(*tuple(_d.values())))

</pallas_src>

<mosaic_0001>
#map = affine_map<(d0, d1) -> (0, 0)>
module attributes {stable_mosaic.version = 14 : i64} {
  func.func @_emb(%arg0: i32, %arg1: i32, %arg2: memref<4096x50xi32, #tpu.memory_space<hbm>>, %arg3: memref<100000x64xf32, #tpu.memory_space<hbm>>, %arg4: memref<4096x64xf32, #tpu.memory_space<hbm>>, %arg5: memref<128x50xi32, #tpu.memory_space<vmem>>, %arg6: memref<50x128xi32, #tpu.memory_space<vmem>>, %arg7: memref<128x64xf32, #tpu.memory_space<vmem>>, %arg8: memref<!tpu.dma_semaphore, #tpu.memory_space<semaphore_mem>>, %arg9: memref<!tpu.dma_semaphore, #tpu.memory_space<semaphore_mem>>) attributes {dimension_semantics = [#tpu.dimension_semantics<core_parallel>, #tpu.dimension_semantics<subcore_parallel>], iteration_bounds = array<i64: 2, 16>, scalar_prefetch = 0 : i64, scratch_operands = 5 : i64, tpu.core_type = #tpu.core_type<sc_vector_subcore>, window_params = [{transform_indices = #map}, {transform_indices = #map}, {transform_indices = #map}]} {
    %mul3A = arith.constant 2 : i32
    %mul3A_0 = arith.muli %arg1, %mul3A : i32
    %add3A = arith.addi %mul3A_0, %arg0 : i32
    %mul3A_1 = arith.constant 128 : i32
    %mul3A_2 = arith.muli %add3A, %mul3A_1 : i32
    %dma_start3A = arith.constant 0 : i32
    %dma_start3A_3 = tpu.memref_slice %arg2[%mul3A_2, %dma_start3A] : memref<4096x50xi32, #tpu.memory_space<hbm>> -> memref<128x50xi32, #tpu.memory_space<hbm>>
    %dma_start3A_4 = arith.constant 0 : i32
    %dma_start3A_5 = tpu.memref_slice %arg2[%mul3A_2, %dma_start3A_4] : memref<4096x50xi32, #tpu.memory_space<hbm>> -> memref<128x50xi32, #tpu.memory_space<hbm>>
    tpu.enqueue_dma source(%dma_start3A_5 : memref<128x50xi32, #tpu.memory_space<hbm>>) target(%arg5 : memref<128x50xi32, #tpu.memory_space<vmem>>) target_semaphore(%arg9 : memref<!tpu.dma_semaphore, #tpu.memory_space<semaphore_mem>>)
    %broadcast_in_dim3A = arith.constant 0.000000e+00 : f32
    %broadcast_in_dim3A_6 = vector.broadcast %broadcast_in_dim3A : f32 to vector<16xf32>
    %scan3A = arith.constant 0 : i32
    %scan3A_7 = arith.constant 0 : i32
    %scan3A_8 = arith.constant 128 : i32
    %scan3A_9 = arith.addi %scan3A_7, %scan3A_8 : i32
    %scan3A_10 = arith.constant 1 : i32
    scf.for %scan3A_39 = %scan3A_7 to %scan3A_9 step %scan3A_10  : i32 {
      %swap3A = arith.index_cast %scan3A_39 : i32 to index
      %swap3A_40 = arith.constant 0 : index
      %swap3A_41 = tpu.vector_load %arg7[%swap3A, %swap3A_40] {strides = array<i32>} : memref<128x64xf32, #tpu.memory_space<vmem>>, vector<16xf32>,
      tpu.vector_store %arg7[%swap3A, %swap3A_40], %broadcast_in_dim3A_6 {strides = array<i32>} : memref<128x64xf32, #tpu.memory_space<vmem>>, vector<16xf32>,
      %swap3A_42 = arith.index_cast %scan3A_39 : i32 to index
      %swap3A_43 = arith.constant 16 : index
      %swap3A_44 = tpu.vector_load %arg7[%swap3A_42, %swap3A_43] {strides = array<i32>} : memref<128x64xf32, #tpu.memory_space<vmem>>, vector<16xf32>,
      tpu.vector_store %arg7[%swap3A_42, %swap3A_43], %broadcast_in_dim3A_6 {strides = array<i32>} : memref<128x64xf32, #tpu.memory_space<vmem>>, vector<16xf32>,
      %swap3A_45 = arith.index_cast %scan3A_39 : i32 to index
      %swap3A_46 = arith.constant 32 : index
      %swap3A_47 = tpu.vector_load %arg7[%swap3A_45, %swap3A_46] {strides = array<i32>} : memref<128x64xf32, #tpu.memory_space<vmem>>, vector<16xf32>,
      tpu.vector_store %arg7[%swap3A_45, %swap3A_46], %broadcast_in_dim3A_6 {strides = array<i32>} : memref<128x64xf32, #tpu.memory_space<vmem>>, vector<16xf32>,
      %swap3A_48 = arith.index_cast %scan3A_39 : i32 to index
      %swap3A_49 = arith.constant 48 : index
      %swap3A_50 = tpu.vector_load %arg7[%swap3A_48, %swap3A_49] {strides = array<i32>} : memref<128x64xf32, #tpu.memory_space<vmem>>, vector<16xf32>,
      tpu.vector_store %arg7[%swap3A_48, %swap3A_49], %broadcast_in_dim3A_6 {strides = array<i32>} : memref<128x64xf32, #tpu.memory_space<vmem>>, vector<16xf32>,
    }
    %scan3A_11 = arith.constant 128 : i32
    %dma_wait3A = arith.constant 0 : i32
    %dma_wait3A_12 = tpu.memref_slice %arg2[%mul3A_2, %dma_wait3A] : memref<4096x50xi32, #tpu.memory_space<hbm>> -> memref<128x50xi32, #tpu.memory_space<hbm>>
    %dma_wait3A_13 = arith.constant 0 : i32
    %dma_wait3A_14 = tpu.memref_slice %arg2[%mul3A_2, %dma_wait3A_13] : memref<4096x50xi32, #tpu.memory_space<hbm>> -> memref<128x50xi32, #tpu.memory_space<hbm>>
    tpu.wait_dma2 semaphore(%arg9 : memref<!tpu.dma_semaphore, #tpu.memory_space<semaphore_mem>>) src(%dma_wait3A_14 : memref<128x50xi32, #tpu.memory_space<hbm>>) dst(%arg5 : memref<128x50xi32, #tpu.memory_space<vmem>>)
    %iota3A = tpu.iota {dimensions = array<i32: 0>} : vector<16xi32>
    %scan3A_15 = arith.constant 0 : i32
    %scan3A_16 = arith.constant 0 : i32
    %scan3A_17 = arith.constant 50 : i32
    %scan3A_18 = arith.addi %scan3A_16, %scan3A_17 : i32
    %scan3A_19 = arith.constant 1 : i32
    scf.for %scan3A_39 = %scan3A_16 to %scan3A_18 step %scan3A_19  : i32 {
      %broadcast_in_dim3A_40 = arith.constant 0 : i32
      %broadcast_in_dim3A_41 = vector.broadcast %broadcast_in_dim3A_40 : i32 to vector<16xi32>
      %add3A_42 = vector.broadcast %scan3A_39 : i32 to vector<16xi32>
      %add3A_43 = arith.addi %broadcast_in_dim3A_41, %add3A_42 : vector<16xi32>
      %add3A_44 = arith.constant 0 : i32
      %add3A_45 = vector.broadcast %add3A_44 : i32 to vector<16xi32>
      %add3A_46 = arith.addi %iota3A, %add3A_45 : vector<16xi32>
      %gather3A = tpu.vector_load_idx %arg5[%add3A_46, %add3A_43] : memref<128x50xi32, #tpu.memory_space<vmem>>[vector<16xi32>, vector<16xi32>], vector<16xi32>,
      %swap3A = arith.index_cast %scan3A_39 : i32 to index
      %swap3A_47 = arith.constant 0 : index
      %swap3A_48 = tpu.vector_load %arg6[%swap3A, %swap3A_47] {strides = array<i32>} : memref<50x128xi32, #tpu.memory_space<vmem>>, vector<16xi32>,
      tpu.vector_store %arg6[%swap3A, %swap3A_47], %gather3A {strides = array<i32>} : memref<50x128xi32, #tpu.memory_space<vmem>>, vector<16xi32>,
      %add3A_49 = arith.constant 16 : i32
      %add3A_50 = vector.broadcast %add3A_49 : i32 to vector<16xi32>
      %add3A_51 = arith.addi %iota3A, %add3A_50 : vector<16xi32>
      %gather3A_52 = tpu.vector_load_idx %arg5[%add3A_51, %add3A_43] : memref<128x50xi32, #tpu.memory_space<vmem>>[vector<16xi32>, vector<16xi32>], vector<16xi32>,
      %swap3A_53 = arith.index_cast %scan3A_39 : i32 to index
      %swap3A_54 = arith.constant 16 : index
      %swap3A_55 = tpu.vector_load %arg6[%swap3A_53, %swap3A_54] {strides = array<i32>} : memref<50x128xi32, #tpu.memory_space<vmem>>, vector<16xi32>,
      tpu.vector_store %arg6[%swap3A_53, %swap3A_54], %gather3A_52 {strides = array<i32>} : memref<50x128xi32, #tpu.memory_space<vmem>>, vector<16xi32>,
      %add3A_56 = arith.constant 32 : i32
      %add3A_57 = vector.broadcast %add3A_56 : i32 to vector<16xi32>
      %add3A_58 = arith.addi %iota3A, %add3A_57 : vector<16xi32>
      %gather3A_59 = tpu.vector_load_idx %arg5[%add3A_58, %add3A_43] : memref<128x50xi32, #tpu.memory_space<vmem>>[vector<16xi32>, vector<16xi32>], vector<16xi32>,
      %swap3A_60 = arith.index_cast %scan3A_39 : i32 to index
      %swap3A_61 = arith.constant 32 : index
      %swap3A_62 = tpu.vector_load %arg6[%swap3A_60, %swap3A_61] {strides = array<i32>} : memref<50x128xi32, #tpu.memory_space<vmem>>, vector<16xi32>,
      tpu.vector_store %arg6[%swap3A_60, %swap3A_61], %gather3A_59 {strides = array<i32>} : memref<50x128xi32, #tpu.memory_space<vmem>>, vector<16xi32>,
      %add3A_63 = arith.constant 48 : i32
      %add3A_64 = vector.broadcast %add3A_63 : i32 to vector<16xi32>
      %add3A_65 = arith.addi %iota3A, %add3A_64 : vector<16xi32>
      %gather3A_66 = tpu.vector_load_idx %arg5[%add3A_65, %add3A_43] : memref<128x50xi32, #tpu.memory_space<vmem>>[vector<16xi32>, vector<16xi32>], vector<16xi32>,
      %swap3A_67 = arith.index_cast %scan3A_39 : i32 to index
      %swap3A_68 = arith.constant 48 : index
      %swap3A_69 = tpu.vector_load %arg6[%swap3A_67, %swap3A_68] {strides = array<i32>} : memref<50x128xi32, #tpu.memory_space<vmem>>, vector<16xi32>,
      tpu.vector_store %arg6[%swap3A_67, %swap3A_68], %gather3A_66 {strides = array<i32>} : memref<50x128xi32, #tpu.memory_space<vmem>>, vector<16xi32>,
      %add3A_70 = arith.constant 64 : i32
      %add3A_71 = vector.broadcast %add3A_70 : i32 to vector<16xi32>
      %add3A_72 = arith.addi %iota3A, %add3A_71 : vector<16xi32>
      %gather3A_73 = tpu.vector_load_idx %arg5[%add3A_72, %add3A_43] : memref<128x50xi32, #tpu.memory_space<vmem>>[vector<16xi32>, vector<16xi32>], vector<16xi32>,
      %swap3A_74 = arith.index_cast %scan3A_39 : i32 to index
      %swap3A_75 = arith.constant 64 : index
      %swap3A_76 = tpu.vector_load %arg6[%swap3A_74, %swap3A_75] {strides = array<i32>} : memref<50x128xi32, #tpu.memory_space<vmem>>, vector<16xi32>,
      tpu.vector_store %arg6[%swap3A_74, %swap3A_75], %gather3A_73 {strides = array<i32>} : memref<50x128xi32, #tpu.memory_space<vmem>>, vector<16xi32>,
      %add3A_77 = arith.constant 80 : i32
      %add3A_78 = vector.broadcast %add3A_77 : i32 to vector<16xi32>
      %add3A_79 = arith.addi %iota3A, %add3A_78 : vector<16xi32>
      %gather3A_80 = tpu.vector_load_idx %arg5[%add3A_79, %add3A_43] : memref<128x50xi32, #tpu.memory_space<vmem>>[vector<16xi32>, vector<16xi32>], vector<16xi32>,
      %swap3A_81 = arith.index_cast %scan3A_39 : i32 to index
      %swap3A_82 = arith.constant 80 : index
      %swap3A_83 = tpu.vector_load %arg6[%swap3A_81, %swap3A_82] {strides = array<i32>} : memref<50x128xi32, #tpu.memory_space<vmem>>, vector<16xi32>,
      tpu.vector_store %arg6[%swap3A_81, %swap3A_82], %gather3A_80 {strides = array<i32>} : memref<50x128xi32, #tpu.memory_space<vmem>>, vector<16xi32>,
      %add3A_84 = arith.constant 96 : i32
      %add3A_85 = vector.broadcast %add3A_84 : i32 to vector<16xi32>
      %add3A_86 = arith.addi %iota3A, %add3A_85 : vector<16xi32>
      %gather3A_87 = tpu.vector_load_idx %arg5[%add3A_86, %add3A_43] : memref<128x50xi32, #tpu.memory_space<vmem>>[vector<16xi32>, vector<16xi32>], vector<16xi32>,
      %swap3A_88 = arith.index_cast %scan3A_39 : i32 to index
      %swap3A_89 = arith.constant 96 : index
      %swap3A_90 = tpu.vector_load %arg6[%swap3A_88, %swap3A_89] {strides = array<i32>} : memref<50x128xi32, #tpu.memory_space<vmem>>, vector<16xi32>,
      tpu.vector_store %arg6[%swap3A_88, %swap3A_89], %gather3A_87 {strides = array<i32>} : memref<50x128xi32, #tpu.memory_space<vmem>>, vector<16xi32>,
      %add3A_91 = arith.constant 112 : i32
      %add3A_92 = vector.broadcast %add3A_91 : i32 to vector<16xi32>
      %add3A_93 = arith.addi %iota3A, %add3A_92 : vector<16xi32>
      %gather3A_94 = tpu.vector_load_idx %arg5[%add3A_93, %add3A_43] : memref<128x50xi32, #tpu.memory_space<vmem>>[vector<16xi32>, vector<16xi32>], vector<16xi32>,
      %swap3A_95 = arith.index_cast %scan3A_39 : i32 to index
      %swap3A_96 = arith.constant 112 : index
      %swap3A_97 = tpu.vector_load %arg6[%swap3A_95, %swap3A_96] {strides = array<i32>} : memref<50x128xi32, #tpu.memory_space<vmem>>, vector<16xi32>,
      tpu.vector_store %arg6[%swap3A_95, %swap3A_96], %gather3A_94 {strides = array<i32>} : memref<50x128xi32, #tpu.memory_space<vmem>>, vector<16xi32>,
    }
    %scan3A_20 = arith.constant 50 : i32
    %scan3A_21 = arith.constant 0 : i32
    %scan3A_22 = arith.constant 0 : i32
    %scan3A_23 = arith.constant 50 : i32
    %scan3A_24 = arith.addi %scan3A_22, %scan3A_23 : i32
    %scan3A_25 = arith.constant 1 : i32
    scf.for %scan3A_39 = %scan3A_22 to %scan3A_24 step %scan3A_25  : i32 {
      %dma_start3A_40 = arith.constant 0 : i32
      %dma_start3A_41 = tpu.memref_slice %arg6[%scan3A_39, %dma_start3A_40] : memref<50x128xi32, #tpu.memory_space<vmem>> -> memref<1x128xi32, #tpu.memory_space<vmem>>
      %dma_start3A_42 = tpu.memref_squeeze %dma_start3A_41 : memref<1x128xi32, #tpu.memory_space<vmem>> -> memref<128xi32, #tpu.memory_space<vmem>>
      %dma_start3A_43 = arith.constant 0 : i32
      %dma_start3A_44 = arith.constant 0 : i32
      %dma_start3A_45 = tpu.memref_slice %arg3[%dma_start3A_43, %dma_start3A_44] : memref<100000x64xf32, #tpu.memory_space<hbm>> -> memref<100000x64xf32, #tpu.memory_space<hbm>>
      tpu.enqueue_indirect_dma source(%dma_start3A_45 : memref<100000x64xf32, #tpu.memory_space<hbm>>) target(%arg7 : memref<128x64xf32, #tpu.memory_space<vmem>>) offsets(%dma_start3A_42 : memref<128xi32, #tpu.memory_space<vmem>>) semaphore(%arg8 : memref<!tpu.dma_semaphore, #tpu.memory_space<semaphore_mem>>) {add = true}
    }
    %scan3A_26 = arith.constant 50 : i32
    %scan3A_27 = arith.constant 0 : i32
    %scan3A_28 = arith.constant 0 : i32
    %scan3A_29 = arith.constant 50 : i32
    %scan3A_30 = arith.addi %scan3A_28, %scan3A_29 : i32
    %scan3A_31 = arith.constant 1 : i32
    scf.for %scan3A_39 = %scan3A_28 to %scan3A_30 step %scan3A_31  : i32 {
      %dma_wait3A_40 = arith.constant 0 : i32
      %dma_wait3A_41 = tpu.memref_slice %arg6[%scan3A_39, %dma_wait3A_40] : memref<50x128xi32, #tpu.memory_space<vmem>> -> memref<1x128xi32, #tpu.memory_space<vmem>>
      %dma_wait3A_42 = tpu.memref_squeeze %dma_wait3A_41 : memref<1x128xi32, #tpu.memory_space<vmem>> -> memref<128xi32, #tpu.memory_space<vmem>>
      %dma_wait3A_43 = arith.constant 0 : i32
      %dma_wait3A_44 = arith.constant 0 : i32
      %dma_wait3A_45 = tpu.memref_slice %arg3[%dma_wait3A_43, %dma_wait3A_44] : memref<100000x64xf32, #tpu.memory_space<hbm>> -> memref<100000x64xf32, #tpu.memory_space<hbm>>
      tpu.wait_indirect_dma semaphore(%arg8 : memref<!tpu.dma_semaphore, #tpu.memory_space<semaphore_mem>>) src(%dma_wait3A_45 : memref<100000x64xf32, #tpu.memory_space<hbm>>) dst(%arg7 : memref<128x64xf32, #tpu.memory_space<vmem>>)
    }
    %scan3A_32 = arith.constant 50 : i32
    %scan3A_33 = arith.constant 0 : i32
    %scan3A_34 = arith.constant 0 : i32
    %scan3A_35 = arith.constant 128 : i32
    %scan3A_36 = arith.addi %scan3A_34, %scan3A_35 : i32
    %scan3A_37 = arith.constant 1 : i32
    scf.for %scan3A_39 = %scan3A_34 to %scan3A_36 step %scan3A_37  : i32 {
      %get3A = arith.index_cast %scan3A_39 : i32 to index
      %get3A_40 = arith.constant 0 : index
      %get3A_41 = tpu.vector_load %arg7[%get3A, %get3A_40] {strides = array<i32>} : memref<128x64xf32, #tpu.memory_space<vmem>>, vector<16xf32>,
      %mul3A_42 = arith.constant 2.000000e-02 : f32
      %mul3A_43 = vector.broadcast %mul3A_42 : f32 to vector<16xf32>
      %mul3A_44 = arith.mulf %get3A_41, %mul3A_43 : vector<16xf32>
      %swap3A = arith.index_cast %scan3A_39 : i32 to index
      %swap3A_45 = arith.constant 0 : index
      %swap3A_46 = tpu.vector_load %arg7[%swap3A, %swap3A_45] {strides = array<i32>} : memref<128x64xf32, #tpu.memory_space<vmem>>, vector<16xf32>,
      tpu.vector_store %arg7[%swap3A, %swap3A_45], %mul3A_44 {strides = array<i32>} : memref<128x64xf32, #tpu.memory_space<vmem>>, vector<16xf32>,
      %get3A_47 = arith.index_cast %scan3A_39 : i32 to index
      %get3A_48 = arith.constant 16 : index
      %get3A_49 = tpu.vector_load %arg7[%get3A_47, %get3A_48] {strides = array<i32>} : memref<128x64xf32, #tpu.memory_space<vmem>>, vector<16xf32>,
      %mul3A_50 = arith.constant 2.000000e-02 : f32
      %mul3A_51 = vector.broadcast %mul3A_50 : f32 to vector<16xf32>
      %mul3A_52 = arith.mulf %get3A_49, %mul3A_51 : vector<16xf32>
      %swap3A_53 = arith.index_cast %scan3A_39 : i32 to index
      %swap3A_54 = arith.constant 16 : index
      %swap3A_55 = tpu.vector_load %arg7[%swap3A_53, %swap3A_54] {strides = array<i32>} : memref<128x64xf32, #tpu.memory_space<vmem>>, vector<16xf32>,
      tpu.vector_store %arg7[%swap3A_53, %swap3A_54], %mul3A_52 {strides = array<i32>} : memref<128x64xf32, #tpu.memory_space<vmem>>, vector<16xf32>,
      %get3A_56 = arith.index_cast %scan3A_39 : i32 to index
      %get3A_57 = arith.constant 32 : index
      %get3A_58 = tpu.vector_load %arg7[%get3A_56, %get3A_57] {strides = array<i32>} : memref<128x64xf32, #tpu.memory_space<vmem>>, vector<16xf32>,
      %mul3A_59 = arith.constant 2.000000e-02 : f32
      %mul3A_60 = vector.broadcast %mul3A_59 : f32 to vector<16xf32>
      %mul3A_61 = arith.mulf %get3A_58, %mul3A_60 : vector<16xf32>
      %swap3A_62 = arith.index_cast %scan3A_39 : i32 to index
      %swap3A_63 = arith.constant 32 : index
      %swap3A_64 = tpu.vector_load %arg7[%swap3A_62, %swap3A_63] {strides = array<i32>} : memref<128x64xf32, #tpu.memory_space<vmem>>, vector<16xf32>,
      tpu.vector_store %arg7[%swap3A_62, %swap3A_63], %mul3A_61 {strides = array<i32>} : memref<128x64xf32, #tpu.memory_space<vmem>>, vector<16xf32>,
      %get3A_65 = arith.index_cast %scan3A_39 : i32 to index
      %get3A_66 = arith.constant 48 : index
      %get3A_67 = tpu.vector_load %arg7[%get3A_65, %get3A_66] {strides = array<i32>} : memref<128x64xf32, #tpu.memory_space<vmem>>, vector<16xf32>,
      %mul3A_68 = arith.constant 2.000000e-02 : f32
      %mul3A_69 = vector.broadcast %mul3A_68 : f32 to vector<16xf32>
      %mul3A_70 = arith.mulf %get3A_67, %mul3A_69 : vector<16xf32>
      %swap3A_71 = arith.index_cast %scan3A_39 : i32 to index
      %swap3A_72 = arith.constant 48 : index
      %swap3A_73 = tpu.vector_load %arg7[%swap3A_71, %swap3A_72] {strides = array<i32>} : memref<128x64xf32, #tpu.memory_space<vmem>>, vector<16xf32>,
      tpu.vector_store %arg7[%swap3A_71, %swap3A_72], %mul3A_70 {strides = array<i32>} : memref<128x64xf32, #tpu.memory_space<vmem>>, vector<16xf32>,
    }
    %scan3A_38 = arith.constant 128 : i32
    "tpu.region"() ({
      %run_scoped3A = tpu.sem_alloc : memref<!tpu.dma_semaphore, #tpu.memory_space<semaphore_mem>>
      %dma_start3A_39 = arith.constant 0 : i32
      %dma_start3A_40 = tpu.memref_slice %arg4[%mul3A_2, %dma_start3A_39] : memref<4096x64xf32, #tpu.memory_space<hbm>> -> memref<128x64xf32, #tpu.memory_space<hbm>>
      %dma_start3A_41 = arith.constant 0 : i32
      %dma_start3A_42 = tpu.memref_slice %arg4[%mul3A_2, %dma_start3A_41] : memref<4096x64xf32, #tpu.memory_space<hbm>> -> memref<128x64xf32, #tpu.memory_space<hbm>>
      tpu.enqueue_dma source(%arg7 : memref<128x64xf32, #tpu.memory_space<vmem>>) target(%dma_start3A_42 : memref<128x64xf32, #tpu.memory_space<hbm>>) target_semaphore(%run_scoped3A : memref<!tpu.dma_semaphore, #tpu.memory_space<semaphore_mem>>)
      %dma_wait3A_43 = arith.constant 0 : i32
      %dma_wait3A_44 = tpu.memref_slice %arg4[%mul3A_2, %dma_wait3A_43] : memref<4096x64xf32, #tpu.memory_space<hbm>> -> memref<128x64xf32, #tpu.memory_space<hbm>>
      %dma_wait3A_45 = arith.constant 0 : i32
      %dma_wait3A_46 = tpu.memref_slice %arg4[%mul3A_2, %dma_wait3A_45] : memref<4096x64xf32, #tpu.memory_space<hbm>> -> memref<128x64xf32, #tpu.memory_space<hbm>>
      tpu.wait_dma2 semaphore(%run_scoped3A : memref<!tpu.dma_semaphore, #tpu.memory_space<semaphore_mem>>) src(%arg7 : memref<128x64xf32, #tpu.memory_space<vmem>>) dst(%dma_wait3A_46 : memref<128x64xf32, #tpu.memory_space<hbm>>)
      tpu.yield
    }) : () -> ()
    return
  }
}

</mosaic_0001>

<sc_bundles>
// kernel: kernel.3.cloned.1.call-start
scs
__scs_entry_jumppad:
0x0: {  	(pc) =	sbr.rel $0x88, $3  }
0x1: {  	(tag) =	ssettag $0x0;
	lr =	simm.s32 $0x1  }
0x2: {  	[smem:$0x3F9F] =	sst lr;
	_ =	strace $0xD0000000  }
0x3: {  	_ = 	snop  }
0x4: {  	_ = 	snop  }
0x5: {  	_ = 	snop  }
0x6: {  	_ = 	snop  }
0x7: {  	_ = 	snop  }
__scs_overlays_trampoline_lowered:
0x8: {  	[smem:$0x3FAE] =	sst s0  }
0x9: {  	[smem:$0x3FAF] =	sst s1  }
0xa: {  	[smem:$0x3FB0] =	sst s2  }
0xb: {  	[smem:$0x3FB1] =	sst s3  }
0xc: {  	[smem:$0x3FB2] =	sst s4  }
0xd: {  	[smem:$0x3FB3] =	sst s5  }
0xe: {  	[smem:$0x3FB4] =	sst s6  }
0xf: {  	[smem:$0x3FB5] =	sst s7  }
0x10: {  	[smem:$0x3FB6] =	sst s8  }
0x11: {  	[smem:$0x3FB7] =	sst s9;
	s0 =	simm.s32 @!p0 $0x0  }
0x12: {  	s1 =	sld [smem:$0x3F9D];
	s0 =	simm.s32 @p0 $0x1  }
0x13: {  	[smem:$0x3FB8] =	sst s0;
	s0 =	simm.s32 @!p1 $0x0  }
0x14: {  	s2 =	sld [smem:$0x3F9C];
	s0 =	simm.s32 @p1 $0x1  }
0x15: {  	[smem:$0x3FB9] =	sst s0;
	s0 =	simm.s32 @!p2 $0x0  }
0x16: {  	s3 =	sld [smem:$0x3FDB];
	s0 =	simm.s32 @p2 $0x1  }
0x17: {  	s4 =	simm.s32 $0x1BF5;
	[smem:$0x3FBB] =	sst s0  }
0x18: {  	s0 =	sld [smem:$0x3F9E];
	_ =	swait.ge [sflag:s4], $0x0  }
0x19: {  	s7 =	sld [smem:$0x3F9F]  }
0x1a: {  	s8 =	sadd.s32 $0xFFFFE003, lr  }
0x1b: {  	s9 =	sadd.s32 $0xFFFFFEF7, lr;
	s5 =	simm.s32 $0xFFFFFFFF;
	p2 =	slt.u32 s8, $0xFFFFF086  }
0x1c: {  	p1 =	slt.u32 s9, $0xF7A;
	s5 =	simm.s32 @!p2 $0x0  }
0x1d: {  	s5 =	simm.s32 @p1 $0x1;
	p0 =	seq.s32 s7, s2  }
0x1e: {  	s7 =	smul.u32 @!p0 $0xF7A, s2;
	p2 =	seq.s32 @!p0 s5, $0x0  }
0x1f: {  	s9 =	smul.u32 $0xF7A, s1;
	s8 =	simm.s32 @!p0 $0x1BF5;
	p2 =	por !p2, p0  }
0x20: {  	[sflag:s8] =	ssyncset.s32 @!p0 $0xFFFFF086;
	s6 =	sadd.s32 @!p0 s3, s7;
	s7 =	simm.s32 @!p0 $0x108  }
0x21: {  	s3 =	sadd.s32 s3, s9;
	s6 =	sadd.s32 @!p0 $0x88, s6;
	s7 =	simm.s32 @p2 $0x1082  }
0x22: {  	[simem:s7], [sflag:s8] =	dma.local @!p0 [hbm:s6], $0xF7A  }
0x23: {  	s9 =	sor.u32 $0xD0000000, s2;
	s6 =	simm.s32 $0x108;
	_ =	swait.ge @!p0 [sflag:s8], $0x0  }
0x24: {  	s3 =	sadd.s32 $0x88, s3;
	s6 =	simm.s32 @!p1 $0x1082;
	[sflag:s4] =	ssyncset.s32 $0xFFFFF086  }
0x25: {  	[simem:s6], [sflag:s4] =	dma.local [hbm:s3], $0xF7A  }
0x26: {  	[smem:$0x3F9F] =	sst s1;
	(tag) =	ssettag s2;
	_ =	strace s9  }
0x27: {  	s1 =	sld [smem:$0x3FAF]  }
0x28: {  	s2 =	sld [smem:$0x3FB0]  }
0x29: {  	s4 =	sld [smem:$0x3FB2]  }
0x2a: {  	p0 =	seq.s32 s5, $0x0;
	s5 =	sld [smem:$0x3FB3]  }
0x2b: {  	s6 =	sld [smem:$0x3FB4]  }
0x2c: {  	s7 =	sld [smem:$0x3FB5]  }
0x2d: {  	s3 =	simm.s32 $0x108;
	s8 =	sld [smem:$0x3FB6]  }
0x2e: {  	s3 =	simm.s32 @!p0 $0x1082;
	s9 =	sld [smem:$0x3FB7]  }
0x2f: {  	lr =	sadd.s32 s0, s3;
	s0 =	sld [smem:$0x3FAE]  }
0x30: {  	s3 =	sld [smem:$0x3FB1]  }
0x31: {  	[smem:$0x3FBA] =	sst s10  }
0x32: {  	s10 =	sld [smem:$0x3FB8];
	_ =	sdelay $0x3  }
0x33: {  	p0 =	seq.s32 s10, $0x1;
	s10 =	sld [smem:$0x3FBA];
	_ =	sdelay $0x3  }
0x34: {  	[smem:$0x3FBA] =	sst s10  }
0x35: {  	s10 =	sld [smem:$0x3FB9];
	_ =	sdelay $0x3  }
0x36: {  	p1 =	seq.s32 s10, $0x1;
	s10 =	sld [smem:$0x3FBA];
	_ =	sdelay $0x3  }
0x37: {  	[smem:$0x3FBA] =	sst s10  }
0x38: {  	s10 =	sld [smem:$0x3FBB]  }
0x39: {  	_ = 	snop;
	(pc) =	sbr.ind lr, $3  }
0x3a: {  	_ = 	snop  }
0x3b: {  	_ = 	snop  }
0x3c: {  	p2 =	seq.s32 s10, $0x1;
	s10 =	sld [smem:$0x3FBA]  }
0x3d: {  	_ =	shalt  }
0x3e: {  	_ =	shalt  }
0x3f: {  	_ =	shalt  }
0x40: {  	_ =	shalt  }
0x41: {  	_ =	shalt  }
0x42: {  	_ =	shalt  }
0x43: {  	_ =	shalt  }
0x44: {  	_ =	shalt  }
0x45: {  	_ =	shalt  }
0x46: {  	_ =	shalt  }
0x47: {  	_ =	shalt  }
0x48: {  	_ =	shalt  }
0x49: {  	_ =	shalt  }
0x4a: {  	_ =	shalt  }
0x4b: {  	_ =	shalt  }
0x4c: {  	_ =	shalt  }
0x4d: {  	_ =	shalt  }
0x4e: {  	_ =	shalt  }
0x4f: {  	_ =	shalt  }
0x50: {  	_ =	shalt  }
0x51: {  	_ =	shalt  }
0x52: {  	_ =	shalt  }
0x53: {  	_ =	shalt  }
0x54: {  	_ =	shalt  }
0x55: {  	_ =	shalt  }
0x56: {  	_ =	shalt  }
0x57: {  	_ =	shalt  }
0x58: {  	_ =	shalt  }
0x59: {  	_ =	shalt  }
0x5a: {  	_ =	shalt  }
0x5b: {  	_ =	shalt  }
0x5c: {  	_ =	shalt  }
0x5d: {  	_ =	shalt  }
0x5e: {  	_ =	shalt  }
0x5f: {  	_ =	shalt  }
0x60: {  	_ =	shalt  }
0x61: {  	_ =	shalt  }
0x62: {  	_ =	shalt  }
0x63: {  	_ =	shalt  }
0x64: {  	_ =	shalt  }
0x65: {  	_ =	shalt  }
0x66: {  	_ =	shalt  }
0x67: {  	_ =	shalt  }
0x68: {  	_ =	shalt  }
0x69: {  	_ =	shalt  }
0x6a: {  	_ =	shalt  }
0x6b: {  	_ =	shalt  }
0x6c: {  	_ =	shalt  }
0x6d: {  	_ =	shalt  }
0x6e: {  	_ =	shalt  }
0x6f: {  	_ =	shalt  }
0x70: {  	_ =	shalt  }
0x71: {  	_ =	shalt  }
0x72: {  	_ =	shalt  }
0x73: {  	_ =	shalt  }
0x74: {  	_ =	shalt  }
0x75: {  	_ =	shalt  }
0x76: {  	_ =	shalt  }
0x77: {  	_ =	shalt  }
0x78: {  	_ =	shalt  }
0x79: {  	_ =	shalt  }
0x7a: {  	_ =	shalt  }
0x7b: {  	_ =	shalt  }
0x7c: {  	_ =	shalt  }
0x7d: {  	_ =	shalt  }
0x7e: {  	_ =	shalt  }
0x7f: {  	_ =	shalt  }
0x80: {  	_ =	shalt  }
0x81: {  	_ =	shalt  }
0x82: {  	_ =	shalt  }
0x83: {  	_ =	shalt  }
0x84: {  	_ =	shalt  }
0x85: {  	_ =	shalt  }
0x86: {  	_ =	shalt  }
0x87: {  	_ =	shalt  }
.Lfunc_end0:
.L_simem_size_0:
called_computation_lowered:
.L_overlay_start_0:
0x88: {  	s2 =	sld [smem:$0x3FD9]  }
0x89: {  	s3 =	sld [smem:$0x3FFE];
	_ =	sdelay $0x1  }
0x8a: {  	s1 =	srdreg.scid  }
0x8b: {  	s0 =	sand.u32 $0x1, s1  }
0x8c: {  	s17 =	sshll.u32 s0, $0xA;
	s2 =	sadd.s32 s3, s2  }
0x8d: {  	s2 =	sadd.s32 s2, s17  }
0x8e: {  	[smem:$0x3FC6] =	sst s2  }
0x8f: {  	_ = 	snop  }
0x90: {  	s2 =	sld [smem:$0x3FD0];
	(tm) =	ssettm $0x1  }
0x91: {  	s18 =	sld [smem:$0x3FFB];
	_ =	sdelay $0x3  }
0x92: {  	_ =	strace s18  }
0x93: {  	s3 =	sld [smem:$0x3FFC];
	_ =	sdelay $0x3  }
0x94: {  	_ =	strace s3  }
0x95: {  	s3 =	sld [smem:$0x3FFD];
	_ =	sdelay $0x3  }
0x96: {  	_ =	strace s3  }
0x97: {  	_ =	strace $0x8FFFFFFF  }
0x98: {  	s19 =	sld [smem:$0x3FDB];
	_ =	sdelay $0x1  }
0x99: {  	s4 =	simm.s32 $_scs_section_size  }
0x9a: {  	s5 =	simm.s32 $_size__tile_overlayer_lowered;
	s6 =	simm.s32 $_tile_overlayer_lowered  }
0x9b: {  	s22 =	simm.s32 $0x1BFF;
	s21 =	sshll.u32 s6, $0x1;
	s3 =	sadd.s32 s4, s19  }
0x9c: {  	s7 =	simm.s32 $0x0;
	s20 =	sshll.u32 s5, $0x1;
	s5 =	sadd.s32 s21, s3  }
0x9d: {  	[timem:s7], [sflag:s22] =	dma.local [hbm:s5], s20  }
0x9e: {  	_ =	swait.ge [sflag:s22], s20  }
0x9f: {  	s4 =	ssub.s32 $0x0, s20;
	[sflag:s22] =	ssyncset.done $0x0  }
0xa0: {  	[sflag:s22] =	ssyncadd.s32 s4;
	_ =	sdelay $0x1  }
0xa1: {  	s23 =	simm.s32 $0x1B8B  }
0xa2: {  	_ =	swait.ge [sflag:s23], $0x1  }
0xa3: {  	[sflag:s23] =	ssyncset.done $0x0  }
0xa4: {  	s25 =	simm.s32 $0x1B8E;
	s24 =	sld [smem:$0x3FFE];
	[sflag:s23] =	ssyncadd.s32 $0xFFFFFFFF  }
0xa5: {  	s26 =	simm.s32 $execute0_lowered;
	[smem:$0x3FD2] =	sst s25  }
0xa6: {  	s5 =	sshll.u32 s26, $0x1;
	_ =	strace $0x80000046;
	[dreg:$0x1] =	wrdreg $0xFFFFFFFF  }
0xa7: {  	s28 =	simm.s32 $_size_execute0_lowered;
	s3 =	sadd.s32 s3, s5;
	[dreg:$0x0] =	wrdreg $0x0  }
0xa8: {  	s5 =	sshll.u32 s28, $0x1;
	[dreg:$0x2] =	wrdreg s3  }
0xa9: {  	[dreg:$0x3] =	wrdreg s5  }
0xaa: {  	[dreg:$0x4] =	wrdreg $0xC0  }
0xab: {  	_ =	task [dreg:s7], $0x5FFFF  }
0xac: {  	[dreg:$0x1] =	wrdreg $0xFFFFFFFF  }
0xad: {  	[dreg:$0x0] =	wrdreg $0x60  }
0xae: {  	[dreg:$0x2] =	wrdreg s24  }
0xaf: {  	[dreg:$0x3] =	wrdreg s2  }
0xb0: {  	[dreg:$0x4] =	wrdreg $0x9  }
0xb1: {  	_ =	task.clear_ibuf [dreg:s7], $0x5FFFF;
	_ =	strace $0x90000046  }
0xb2: {  	s29 =	simm.s32 $0x9;
	_ =	strace $0x80000048  }
0xb3: {  	_ =	swait.ge [sflag:s29], $0x1  }
0xb4: {  	[sflag:s29] =	ssyncadd.s32 $0xFFFFFFFF  }
0xb5: {  	_ =	strace $0x90000048  }
0xb6: {  	_ =	sfence  }
0xb7: {  	s30 =	sld [smem:$0x0];
	_ =	sdelay $0x2  }
0xb8: {  	s31 =	sshll.u32 s1, $0xD;
	s1 =	sshrl.u32 s1, $0x2  }
0xb9: {  	s3 =	sand.u32 $0x4000, s31;
	s1 =	sadd.s32 s1, s30  }
0xba: {  	s0 =	sor.u32 s3, s0;
	s1 =	sshll.u32 s1, $0x11  }
0xbb: {  	s0 =	sor.u32 s1, s0  }
0xbc: {  	s0 =	sadd.s32 $0x8F2B, s0  }
0xbd: {  	[sflag:s0] =	ssyncadd.remote.s32 $0x1  }
0xbe: {  	_ =	sfence.sel $0xFFFF  }
0xbf: {  	[dreg:$0x0] =	wrdreg $0xFFFFFFFF;
	(pc) =	sbr.abs _section_cstart, $3  }
0xc0: {  	[dreg:$0x1] =	wrdreg $0xFFFFFFFF  }
0xc1: {  	_ =	task.clear_ibuf [dreg:s7], $0x2FFFF;
	_ =	strace $0x9FFFFFFF  }
0xc2: {  	(tm) =	ssettm $0x7FFFFFFF  }
0xc3: {  	_ =	shalt  }
tec
execute0_lowered:
.L_overlay_start_1:
0x0: {  	(tag) =	ssettag $0x1  }
0x1: {  	s1 =	srdreg.scid;
	s4 =	rddreg [dreg:$0x0]  }
0x2: {  	s0 =	stileid.u32;
	s5 =	rddreg [dreg:$0x1]  }
0x3: {  	s10 =	simm.s32 $0x1;
	s11 =	simm.s32 $0x3;
	s12 =	simm.s32 $0x0  }
0x4: {  	s3 =	sand.u32 $0x1, s1;
	s31 =	sshll.u32 s0, $0x8;
	s1 =	rddreg [dreg:$0x2]  }
0x5: {  	v0 =	vlaneseq.u32;
	s2 =	sshll.u32 s3, $0x7;
	s8 =	ssub.s32 $0x2, s3;
	s3 =	sadd.s32 $0x187000, s4  }
0x6: {  	v0 =	vmul.u32 $0x38, v0;
	s6 =	sor.u32 s2, s31;
	s2 =	simm.s32 $0x0;
	s9 =	sshrl.u32 s8, $0x1  }
0x7: {  	s7 =	smul.u32 $0x7, s6;
	[smem:$0x7FF] =	sst s2;
	s8 =	ssub.s32 s8, s9  }
0x8: {  	v1 =	vimm.f32 $0.0e+00;
	v2 =	vadd.s32 $0x380, v0;
	s6 =	sshll.u32 s6, $0x3;
	s9 =	simm.s32 $0x3500;
	_ =	strace $0x80000047  }
0x9: {  	v3 =	vadd.s32 $0x700, v0;
	v4 =	vadd.s32 $0xA80, v0;
	v5 =	vadd.s32 $0xE00, v0;
	s5 =	sadd.s32 s5, s6;
	s6 =	smax.u32 s8, $0x1;
	s7 =	sadd.s32 s7, s4  }
0xa: {  	v6 =	vadd.s32 $0x1180, v0;
	v7 =	vadd.s32 $0x1500, v0;
	v8 =	vadd.s32 $0x1880, v0;
	s8 =	simm.s32 $0x80;
	s4 =	sadd.s32 $0x600, s7;
	s7 =	simm.s32 $0x2  }
.LBB2_1:
0xb: {  	[tilespmem:s2], [sflag:$0x2] =	stream.linear.gather [hbm4b:s4+s2], $0x1C00, $0x38;
	[tilespmem:$0x5500] =	vst v63  }
0xc: {  	s13 =	simm.s32 $0x100;
	s14 =	simm.s32 $0x0  }
.LBB2_2:
0xd: {  	p0 =	sne.s32 s13, $0x7F00;
	[tilespmem:s14+$0x3530] =	vst v1;
	s15 =	smov.u32 s13;
	s13 =	sadd.s32 $0x100, s13  }
.Ltmp0:
0xe: {  	[tilespmem:s14+$0x3520] =	vst v1;
	(pc) =	sbr.rel @p0 .LBB2_2-.Ltmp0, $3  }
0xf: {  	[tilespmem:s14+$0x3500] =	vst v1  }
0x10: {  	[tilespmem:s14+$0x3510] =	vst v1;
	_ =	sdelay $0x1  }
0x11: {  	s14 =	sshra.s32 s15, $0x2  }
0x12: {  	s13 =	simm.s32 $0x0  }
0x13: {  	[tilespmem:s14+$0x3530] =	vst v1;
	v9 =	vmov s13  }
0x14: {  	[tilespmem:s14+$0x3520] =	vst v1;
	v9 =	vand.u32 $0x3F, v9  }
0x15: {  	[tilespmem:s14+$0x3500] =	vst v1;
	v10 =	vadd.s32 v0, v9  }
0x16: {  	[tilespmem:s14+$0x3510] =	vst v1  }
0x17: {  	_ =	swait.ge [sflag:s7], $0x1C00  }
0x18: {  	[sflag:s7] =	ssyncset.done $0x0  }
0x19: {  	[sflag:s7] =	ssyncadd.s32 $0xFFFFE400  }
0x1a: {  	v10 =	vld.idx.msk [tilespmem:v10+s13+$0x0], $0xffff  }
0x1b: {  	v11 =	vadd.s32 v2, v9;
	_ =	sdelay $0x2  }
0x1c: {  	s14 =	simm.s32 $0x1C40  }
0x1d: {  	[tilespmem:s14+$0xFFFFFFC0] =	vst v10  }
0x1e: {  	v10 =	vld.idx.msk [tilespmem:v11+s13+$0x0], $0xffff  }
0x1f: {  	v11 =	vadd.s32 v3, v9;
	_ =	sdelay $0x3  }
0x20: {  	[tilespmem:s14+$0xFFFFFFD0] =	vst v10  }
0x21: {  	v10 =	vld.idx.msk [tilespmem:v11+s13+$0x0], $0xffff  }
0x22: {  	v11 =	vadd.s32 v4, v9;
	_ =	sdelay $0x3  }
0x23: {  	[tilespmem:s14+$0xFFFFFFE0] =	vst v10  }
0x24: {  	v10 =	vld.idx.msk [tilespmem:v11+s13+$0x0], $0xffff  }
0x25: {  	v11 =	vadd.s32 v5, v9;
	_ =	sdelay $0x3  }
0x26: {  	[tilespmem:s14+$0xFFFFFFF0] =	vst v10  }
0x27: {  	v10 =	vld.idx.msk [tilespmem:v11+s13+$0x0], $0xffff  }
0x28: {  	v11 =	vadd.s32 v6, v9;
	_ =	sdelay $0x3  }
0x29: {  	[tilespmem:s14+$0x0] =	vst v10  }
0x2a: {  	v10 =	vld.idx.msk [tilespmem:v11+s13+$0x0], $0xffff  }
0x2b: {  	v11 =	vadd.s32 v7, v9;
	_ =	sdelay $0x3  }
0x2c: {  	[tilespmem:s14+$0x10] =	vst v10  }
0x2d: {  	v10 =	vld.idx.msk [tilespmem:v11+s13+$0x0], $0xffff  }
0x2e: {  	v9 =	vadd.s32 v8, v9;
	_ =	sdelay $0x3  }
0x2f: {  	s15 =	simm.s32 $0x1;
	[tilespmem:s14+$0x20] =	vst v10  }
0x30: {  	v10 =	vmov s15;
	s15 =	simm.s32 $0x2;
	v9 =	vld.idx.msk [tilespmem:v9+s13+$0x0], $0xffff  }
.LBB2_4:
0x31: {  	p0 =	sne.s32 s15, $0x31;
	v10 =	vand.u32 $0x3F, v10  }
0x32: {  	v11 =	vadd.s32 v0, v10;
	_ =	sdelay $0x3  }
0x33: {  	[tilespmem:s14+$0x30] =	vst v9  }
0x34: {  	v9 =	vld.idx.msk [tilespmem:v11+s13+$0x0], $0xffff;
	_ =	sdelay $0x1  }
0x35: {  	v11 =	vadd.s32 v2, v10;
	_ =	sdelay $0x2  }
0x36: {  	s14 =	sadd.s32 $0x80, s14  }
0x37: {  	[tilespmem:s14+$0xFFFFFFC0] =	vst v9  }
0x38: {  	v9 =	vld.idx.msk [tilespmem:v11+s13+$0x0], $0xffff;
	_ =	sdelay $0x1  }
0x39: {  	v11 =	vadd.s32 v3, v10;
	_ =	sdelay $0x3  }
0x3a: {  	[tilespmem:s14+$0xFFFFFFD0] =	vst v9  }
0x3b: {  	v9 =	vld.idx.msk [tilespmem:v11+s13+$0x0], $0xffff;
	_ =	sdelay $0x1  }
0x3c: {  	v11 =	vadd.s32 v4, v10;
	_ =	sdelay $0x3  }
0x3d: {  	[tilespmem:s14+$0xFFFFFFE0] =	vst v9  }
0x3e: {  	v9 =	vld.idx.msk [tilespmem:v11+s13+$0x0], $0xffff;
	_ =	sdelay $0x1  }
0x3f: {  	v11 =	vadd.s32 v5, v10;
	_ =	sdelay $0x3  }
0x40: {  	[tilespmem:s14+$0xFFFFFFF0] =	vst v9  }
0x41: {  	v9 =	vld.idx.msk [tilespmem:v11+s13+$0x0], $0xffff;
	_ =	sdelay $0x1  }
0x42: {  	v11 =	vadd.s32 v6, v10;
	_ =	sdelay $0x3  }
0x43: {  	[tilespmem:s14+$0x0] =	vst v9  }
0x44: {  	v9 =	vld.idx.msk [tilespmem:v11+s13+$0x0], $0xffff;
	_ =	sdelay $0x1  }
0x45: {  	v11 =	vadd.s32 v7, v10;
	_ =	sdelay $0x3  }
0x46: {  	[tilespmem:s14+$0x10] =	vst v9  }
0x47: {  	v9 =	vld.idx.msk [tilespmem:v11+s13+$0x0], $0xffff;
	_ =	sdelay $0x1  }
0x48: {  	v11 =	vadd.s32 v8, v10  }
.Ltmp1:
0x49: {  	(pc) =	sbr.rel @p0 .LBB2_4-.Ltmp1, $3  }
0x4a: {  	_ =	sdelay $0x1  }
0x4b: {  	[tilespmem:s14+$0x20] =	vst v9  }
0x4c: {  	v10 =	vmov s15;
	s15 =	sadd.s32 $0x1, s15;
	v9 =	vld.idx.msk [tilespmem:v11+s13+$0x0], $0xffff  }
0x4d: {  	v10 =	vand.u32 $0x3F, v10  }
0x4e: {  	v11 =	vadd.s32 v0, v10;
	_ =	sdelay $0x3  }
0x4f: {  	[tilespmem:s14+$0x30] =	vst v9  }
0x50: {  	v9 =	vld.idx.msk [tilespmem:v11+s13+$0x0], $0xffff  }
0x51: {  	v11 =	vadd.s32 v2, v10;
	_ =	sdelay $0x2  }
0x52: {  	s31 =	sadd.s32 $0x80, s14  }
0x53: {  	[tilespmem:s31+$0xFFFFFFC0] =	vst v9  }
0x54: {  	v9 =	vld.idx.msk [tilespmem:v11+s13+$0x0], $0xffff  }
0x55: {  	v11 =	vadd.s32 v3, v10;
	_ =	sdelay $0x3  }
0x56: {  	[tilespmem:s31+$0xFFFFFFD0] =	vst v9  }
0x57: {  	v9 =	vld.idx.msk [tilespmem:v11+s13+$0x0], $0xffff  }
0x58: {  	v11 =	vadd.s32 v4, v10;
	_ =	sdelay $0x3  }
0x59: {  	[tilespmem:s31+$0xFFFFFFE0] =	vst v9  }
0x5a: {  	v9 =	vld.idx.msk [tilespmem:v11+s13+$0x0], $0xffff  }
0x5b: {  	v11 =	vadd.s32 v5, v10;
	_ =	sdelay $0x3  }
0x5c: {  	[tilespmem:s31+$0xFFFFFFF0] =	vst v9  }
0x5d: {  	v9 =	vld.idx.msk [tilespmem:v11+s13+$0x0], $0xffff  }
0x5e: {  	v11 =	vadd.s32 v6, v10;
	_ =	sdelay $0x3  }
0x5f: {  	[tilespmem:s31+$0x0] =	vst v9  }
0x60: {  	v9 =	vld.idx.msk [tilespmem:v11+s13+$0x0], $0xffff  }
0x61: {  	v11 =	vadd.s32 v7, v10;
	_ =	sdelay $0x3  }
0x62: {  	[tilespmem:s31+$0x10] =	vst v9  }
0x63: {  	v9 =	vld.idx.msk [tilespmem:v11+s13+$0x0], $0xffff  }
0x64: {  	v10 =	vadd.s32 v8, v10;
	_ =	sdelay $0x3  }
0x65: {  	[tilespmem:s31+$0x20] =	vst v9  }
0x66: {  	v9 =	vld.idx.msk [tilespmem:v10+s13+$0x0], $0xffff;
	_ =	sdelay $0x4  }
0x67: {  	[tilespmem:s31+$0x30] =	vst v9  }
.LBB2_6:
0x68: {  	p0 =	sne.s32 s13, $0x6200  }
.Ltmp2:
0x69: {  	_ = 	snop;
	(pc) =	sbr.rel @p0 .LBB2_6-.Ltmp2, $4  }
0x6a: {  	_ = 	snop  }
0x6b: {  	s14 =	sshra.s32 s13, $0x2  }
0x6c: {  	s13 =	sadd.s32 $0x200, s13;
	s14 =	sadd.s32 $0x1C00, s14  }
0x6d: {  	[tilespmem:s9], [sflag:$0x1] =	stream.indirect.gather.add.f32 [hbm:s3], $0x40, s14, s8, $0xb8;
	[tilespmem:$0x5500] =	vst v63  }
0x6e: {  	s13 =	simm.s32 $0x32  }
.LBB2_8:
0x6f: {  	p0 =	sne.s32 s13, $0x1  }
.Ltmp3:
0x70: {  	_ = 	snop;
	(pc) =	sbr.rel @p0 .LBB2_8-.Ltmp3, $4  }
0x71: {  	_ = 	snop  }
0x72: {  	_ =	swait.ge [sflag:s10], $0x2000  }
0x73: {  	[sflag:s10] =	ssyncset.done $0x0  }
0x74: {  	s13 =	sadd.s32 $0xFFFFFFFF, s13;
	[sflag:s10] =	ssyncadd.s32 $0xFFFFE000  }
0x75: {  	s13 =	simm.s32 $0x0  }
0x76: {  	v9 =	vld [tilespmem:s13+$0x3500]  }
0x77: {  	v11 =	vld [tilespmem:s13+$0x3510]  }
0x78: {  	s14 =	simm.s32 $0x100;
	v10 =	vld [tilespmem:s13+$0x3520]  }
.LBB2_10:
0x79: {  	p0 =	sne.s32 s14, $0x7F00;
	v12 =	vld [tilespmem:s13+$0x3530];
	_ =	sdelay $0x1  }
0x7a: {  	v9 =	vmul.f32 $1.999999960e-02, v9  }
.Ltmp4:
0x7b: {  	v11 =	vmul.f32 $1.999999960e-02, v11;
	(pc) =	sbr.rel @p0 .LBB2_10-.Ltmp4, $4  }
0x7c: {  	s15 =	sshra.s32 s14, $0x2;
	[tilespmem:s13+$0x3500] =	vst v9;
	v10 =	vmul.f32 $1.999999960e-02, v10  }
0x7d: {  	v9 =	vld [tilespmem:s15+$0x3500];
	[tilespmem:s13+$0x3510] =	vst v11;
	v12 =	vmul.f32 $1.999999960e-02, v12  }
0x7e: {  	v11 =	vld [tilespmem:s15+$0x3510];
	[tilespmem:s13+$0x3520] =	vst v10  }
0x7f: {  	s14 =	sadd.s32 $0x100, s14;
	v10 =	vld [tilespmem:s15+$0x3520];
	[tilespmem:s13+$0x3530] =	vst v12;
	s13 =	smov.u32 s15  }
0x80: {  	v12 =	vld [tilespmem:s13+$0x3530];
	_ =	sdelay $0x1  }
0x81: {  	v9 =	vmul.f32 $1.999999960e-02, v9  }
0x82: {  	v11 =	vmul.f32 $1.999999960e-02, v11  }
0x83: {  	[tilespmem:s13+$0x3500] =	vst v9;
	v9 =	vmul.f32 $1.999999960e-02, v10  }
0x84: {  	s12 =	sadd.s32 $0x1, s12;
	[tilespmem:s13+$0x3510] =	vst v11;
	v10 =	vmul.f32 $1.999999960e-02, v12  }
0x85: {  	p0 =	sne.s32 s12, s6;
	[tilespmem:s13+$0x3520] =	vst v9  }
.Ltmp5:
0x86: {  	[tilespmem:s13+$0x3530] =	vst v10;
	(pc) =	sbr.rel @p0 .LBB2_1-.Ltmp5, $4  }
0x87: {  	[hbm4b:s5+s2] =	stream.linear.scatter [tilespmem:s9], [sflag:$0x3], $0x2000, $0x38;
	[tilespmem:$0x5500] =	vst v63  }
0x88: {  	_ =	swait.ge [sflag:s11], $0x2000  }
0x89: {  	[sflag:s11] =	ssyncset.done $0x0  }
0x8a: {  	[sflag:s11] =	ssyncadd.s32 $0xFFFFE000  }
0x8b: {  	_ =	sfence.sel $0x180000  }
0x8c: {  	[bflag:$0x0] =	sbarrier.arrive $0xFFFF  }
0x8d: {  	p0 =	sne.s32 s0, $0x0;
	_ =	strace $0x90000047  }
0x8e: {  	s0 =	sadd.s32 @!p0 $0x100000, s1;
	[bflag:$0x2] =	sbarrier.arrive $0xFFFF  }
0x8f: {  	[sflag:s0] =	ssyncadd.tile.s32 @!p0 $0x1;
	_ =	shalt  }
.Lfunc_end2:
_tile_overlayer_lowered:
.L_overlay_start_2:
0x90: {  	(tag) =	ssettag $0x2  }
0x91: {  	s0 =	rddreg [dreg:$0x0];
	s2 =	stileid.u32  }
0x92: {  	s1 =	rddreg [dreg:$0x1];
	p0 =	sne.s32 s2, $0x0  }
0x93: {  	s3 =	rddreg [dreg:$0x2];
	[bflag:$0x3] =	sbarrier.arrive $0xFFFF;
	s2 =	simm.s32 @!p0 $0x1C03  }
0x94: {  	[timem:s3], [sflag:s2] =	dma.local @!p0 [hbm:s0], s1  }
0x95: {  	s0 =	simm.s32 @!p0 $0x3  }
0x96: {  	_ =	swait.ge @!p0 [sflag:s0], s1  }
0x97: {  	s1 =	ssub.s32 @!p0 $0x0, s1;
	[sflag:s0] =	ssyncset.done @!p0 $0x0  }
0x98: {  	[sflag:s0] =	ssyncadd.s32 @!p0 s1  }
0x99: {  	[bflag:$0x3] =	sbarrier.arrive $0xFFFF  }
0x9a: {  	_ =	shalt  }

</sc_bundles>
